<compile_context>
chip_gen: v7x
topology: tpu7x:2x2x1
jax: 0.10.2.dev20260603
libtpu: 0.0.44.dev20260713+nightly
codegen_flags: <defaults>
</compile_context>

<pallas_src>
import functools

import jax
import jax.numpy as jnp
from jax import lax
from jax.experimental import pallas as pl
from jax.experimental.pallas import tpu as pltpu
from jax.experimental.pallas import tpu_sc as plsc

B = 4096
HW = 80 * 80
WD = 1.0 / (80 * 79.0)
WL = 1.0 - WD
W_BASE = (HW * WD) / HW
W_HIT = (WL - WD) / HW

_SC_CHUNK = B // 32


def _sc_wsum_body(gt_hbm, out_hbm, gt_v, w_v):
    wid = lax.axis_index("s") * 2 + lax.axis_index("c")
    base = wid * _SC_CHUNK
    pltpu.sync_copy(gt_hbm.at[:, pl.ds(base, _SC_CHUNK)], gt_v)
    for j in range(_SC_CHUNK // 16):
        xf = gt_v[0, pl.ds(j * 16, 16)]
        yf = gt_v[1, pl.ds(j * 16, 16)]
        ix = (xf * 80.0).astype(jnp.int32)
        iy = (yf * 80.0).astype(jnp.int32)
        valid = (ix >= 0) & (ix < 80) & (iy >= 0) & (iy < 80)
        w_v[pl.ds(j * 16, 16)] = jnp.where(
            valid, jnp.float32(W_BASE + W_HIT), jnp.float32(W_BASE)
        )
    pltpu.sync_copy(w_v, out_hbm.at[pl.ds(base, _SC_CHUNK)])


@jax.jit
def _sc_wsum(gt2):
    mesh = plsc.VectorSubcoreMesh(core_axis_name="c", subcore_axis_name="s")
    return functools.partial(
        pl.kernel,
        mesh=mesh,
        out_type=jax.ShapeDtypeStruct((B,), jnp.float32),
        scratch_types=[
            pltpu.VMEM((2, _SC_CHUNK), jnp.float32),
            pltpu.VMEM((_SC_CHUNK,), jnp.float32),
        ],
    )(_sc_wsum_body)(gt2)


LOG2E = 1.4426950408889634
LN2 = 0.6931471805599453


NBUF = 4
CH = 128
NCH = HW // CH


def _bce_body(pred_hbm, target_hbm, w_ref, out_ref, pbuf, tbuf, psem, tsem):
    def start(c):
        s = c % NBUF
        pltpu.make_async_copy(
            pred_hbm.at[pl.ds(c * CH, CH), :], pbuf.at[s], psem.at[s]
        ).start()
        pltpu.make_async_copy(
            target_hbm.at[pl.ds(c * CH, CH), :], tbuf.at[s], tsem.at[s]
        ).start()

    def wait(c):
        s = c % NBUF
        pltpu.make_async_copy(
            pred_hbm.at[pl.ds(c * CH, CH), :], pbuf.at[s], psem.at[s]
        ).wait()
        pltpu.make_async_copy(
            target_hbm.at[pl.ds(c * CH, CH), :], tbuf.at[s], tsem.at[s]
        ).wait()

    for c in range(NBUF - 1):
        start(c)

    acc_lin = jnp.zeros((8, B), jnp.float32)
    acc_log = jnp.zeros((8, B), jnp.float32)
    for c in range(NCH):
        if c + NBUF - 1 < NCH:
            start(c + NBUF - 1)
        wait(c)
        s = c % NBUF
        for k in range(CH // 8):
            x = pbuf[s, pl.ds(k * 8, 8), :]
            t = tbuf[s, pl.ds(k * 8, 8), :]
            e = jnp.exp2(jnp.abs(x) * (-LOG2E))
            acc_log += jnp.log2(1.0 + e)
            acc_lin += jnp.maximum(x, 0.0) - t * x
    contrib = jnp.sum(acc_lin, axis=0) + LN2 * jnp.sum(acc_log, axis=0)
    out_ref[...] = jnp.sum(contrib.reshape(1, B) * w_ref[...]).reshape(1, 1)


@jax.jit
def _bce_loss(pred_t, target_t, w):
    out = pl.pallas_call(
        _bce_body,
        in_specs=[
            pl.BlockSpec(memory_space=pl.ANY),
            pl.BlockSpec(memory_space=pl.ANY),
            pl.BlockSpec(memory_space=pltpu.MemorySpace.VMEM),
        ],
        out_specs=pl.BlockSpec(memory_space=pltpu.MemorySpace.VMEM),
        out_shape=jax.ShapeDtypeStruct((1, 1), jnp.float32),
        scratch_shapes=[
            pltpu.VMEM((NBUF, CH, B), jnp.float32),
            pltpu.VMEM((NBUF, CH, B), jnp.float32),
            pltpu.SemaphoreType.DMA((NBUF,)),
            pltpu.SemaphoreType.DMA((NBUF,)),
        ],
    )(pred_t, target_t, w)
    return out.reshape(1)


def kernel(pred, target, gt_coords):
    gt2 = gt_coords.transpose(1, 2, 0).reshape(2, B)
    w = _sc_wsum(gt2).reshape(1, B)
    pred_t = pred.transpose(1, 2, 3, 0).reshape(HW, B)
    target_t = target.transpose(1, 2, 3, 0).reshape(HW, B)
    return _bce_loss(pred_t, target_t, w)

# --- scband reference (transcript-rebuilt; emitter-appended) ---
"""Pipeline reference for scband-custom-loss-25211458027587 (READ-ONLY COPY).

The authoritative reference and input builder live on the scoring server;
editing this copy changes nothing except your own understanding.
"""

import jax, jax.numpy as jnp
import numpy as np

B = 4096
WD = 1.0 / (80 * 79.0)
WL = 1.0 - WD

def setup_inputs(seed: int = 0) -> dict:
    key = jax.random.key(seed)
    k1, k2, k3 = jax.random.split(key, 3)
    pred = jax.random.normal(k1, (B, 1, 80, 80), dtype=jnp.float32)
    target = jax.random.uniform(k2, (B, 1, 80, 80), dtype=jnp.float32)
    gt_coords = jax.random.uniform(k3, (B, 1, 2), dtype=jnp.float32)
    return {"pred": pred, "target": target, "gt_coords": gt_coords}

def reference(pred, target, gt_coords):
    n = gt_coords.shape[0]
    # weight map: dark everywhere, light at the gt coordinate (scatter-set)
    coords = (gt_coords * 80.0).astype(jnp.int32)  # [n,1,2], int() floors like torch
    weight_map = jnp.full((n, 1, 80, 80), WD, dtype=jnp.float32)
    bi = jnp.arange(n)
    weight_map = weight_map.at[bi, 0, coords[:, 0, 0], coords[:, 0, 1]].set(WL)
    # per-sample mean BCE (torch F.binary_cross_entropy default reduction='mean',
    # with log terms clamped at -100)
    p = jax.nn.sigmoid(pred[:, 0])  # [n,80,80]
    t = target[:, 0]
    logp = jnp.clip(jnp.log(p), -100.0, None)
    log1mp = jnp.clip(jnp.log(1.0 - p), -100.0, None)
    bce = -(t * logp + (1.0 - t) * log1mp)
    mean_bce = bce.mean(axis=(1, 2))  # [n]
    # loss_ce = scalar * weight_map[i]; loss_ce[0].sum() = scalar * weight_map[i,0].sum()
    wsum = weight_map[:, 0].sum(axis=(1, 2))  # [n]
    total_loss = (mean_bce * wsum).sum().reshape(1)
    return total_loss

if __name__ == "__main__":
    import jax
    _d = setup_inputs()
    print(jax.jit(kernel)(*tuple(_d.values())))

</pallas_src>

<mosaic_0001>
#map = affine_map<(d0, d1) -> (0, 0)>
#map1 = affine_map<(d0, d1) -> (0)>
module attributes {stable_mosaic.version = 14 : i64} {
  func.func @_sc_wsum_body(%arg0: i32, %arg1: i32, %arg2: memref<2x4096xf32, #tpu.memory_space<hbm>>, %arg3: memref<4096xf32, #tpu.memory_space<hbm>>, %arg4: memref<2x128xf32, #tpu.memory_space<vmem>>, %arg5: memref<128xf32, #tpu.memory_space<vmem>>) attributes {dimension_semantics = [#tpu.dimension_semantics<core_parallel>, #tpu.dimension_semantics<subcore_parallel>], iteration_bounds = array<i64: 2, 16>, scalar_prefetch = 0 : i64, scratch_operands = 2 : i64, tpu.core_type = #tpu.core_type<sc_vector_subcore>, window_params = [{transform_indices = #map}, {transform_indices = #map1}]} {
    %mul3A = arith.constant 2 : i32
    %mul3A_0 = arith.muli %arg1, %mul3A : i32
    %add3A = arith.addi %mul3A_0, %arg0 : i32
    %mul3A_1 = arith.constant 128 : i32
    %mul3A_2 = arith.muli %add3A, %mul3A_1 : i32
    "tpu.region"() ({
      %run_scoped3A = tpu.sem_alloc : memref<!tpu.dma_semaphore, #tpu.memory_space<semaphore_mem>>
      %dma_start3A = arith.constant 0 : i32
      %dma_start3A_330 = tpu.memref_slice %arg2[%dma_start3A, %mul3A_2] : memref<2x4096xf32, #tpu.memory_space<hbm>> -> memref<2x128xf32, #tpu.memory_space<hbm>>
      %dma_start3A_331 = arith.constant 0 : i32
      %dma_start3A_332 = tpu.memref_slice %arg2[%dma_start3A_331, %mul3A_2] : memref<2x4096xf32, #tpu.memory_space<hbm>> -> memref<2x128xf32, #tpu.memory_space<hbm>>
      tpu.enqueue_dma source(%dma_start3A_332 : memref<2x128xf32, #tpu.memory_space<hbm>>) target(%arg4 : memref<2x128xf32, #tpu.memory_space<vmem>>) target_semaphore(%run_scoped3A : memref<!tpu.dma_semaphore, #tpu.memory_space<semaphore_mem>>)
      %dma_wait3A = arith.constant 0 : i32
      %dma_wait3A_333 = tpu.memref_slice %arg2[%dma_wait3A, %mul3A_2] : memref<2x4096xf32, #tpu.memory_space<hbm>> -> memref<2x128xf32, #tpu.memory_space<hbm>>
      %dma_wait3A_334 = arith.constant 0 : i32
      %dma_wait3A_335 = tpu.memref_slice %arg2[%dma_wait3A_334, %mul3A_2] : memref<2x4096xf32, #tpu.memory_space<hbm>> -> memref<2x128xf32, #tpu.memory_space<hbm>>
      tpu.wait_dma2 semaphore(%run_scoped3A : memref<!tpu.dma_semaphore, #tpu.memory_space<semaphore_mem>>) src(%dma_wait3A_335 : memref<2x128xf32, #tpu.memory_space<hbm>>) dst(%arg4 : memref<2x128xf32, #tpu.memory_space<vmem>>)
      tpu.yield
    }) : () -> ()
    %get3A = arith.constant 0 : i32
    %get3A_3 = arith.index_cast %get3A : i32 to index
    %get3A_4 = arith.constant 0 : index
    %get3A_5 = tpu.vector_load %arg4[%get3A_3, %get3A_4] {strides = array<i32>} : memref<2x128xf32, #tpu.memory_space<vmem>>, vector<1x16xf32>,
    %get3A_6 = vector.shape_cast %get3A_5 : vector<1x16xf32> to vector<16xf32>
    %get3A_7 = arith.constant 1 : i32
    %get3A_8 = arith.index_cast %get3A_7 : i32 to index
    %get3A_9 = arith.constant 0 : index
    %get3A_10 = tpu.vector_load %arg4[%get3A_8, %get3A_9] {strides = array<i32>} : memref<2x128xf32, #tpu.memory_space<vmem>>, vector<1x16xf32>,
    %get3A_11 = vector.shape_cast %get3A_10 : vector<1x16xf32> to vector<16xf32>
    %mul3A_12 = arith.constant 8.000000e+01 : f32
    %mul3A_13 = vector.broadcast %mul3A_12 : f32 to vector<16xf32>
    %mul3A_14 = arith.mulf %get3A_6, %mul3A_13 : vector<16xf32>
    %convert_element_type3A = arith.fptosi %mul3A_14 : vector<16xf32> to vector<16xi32>
    %mul3A_15 = arith.constant 8.000000e+01 : f32
    %mul3A_16 = vector.broadcast %mul3A_15 : f32 to vector<16xf32>
    %mul3A_17 = arith.mulf %get3A_11, %mul3A_16 : vector<16xf32>
    %convert_element_type3A_18 = arith.fptosi %mul3A_17 : vector<16xf32> to vector<16xi32>
    %ge3A = arith.constant 0 : i32
    %ge3A_19 = vector.broadcast %ge3A : i32 to vector<16xi32>
    %ge3A_20 = arith.cmpi sge, %convert_element_type3A, %ge3A_19 : vector<16xi32>
    %lt3A = arith.constant 80 : i32
    %lt3A_21 = vector.broadcast %lt3A : i32 to vector<16xi32>
    %lt3A_22 = arith.cmpi slt, %convert_element_type3A, %lt3A_21 : vector<16xi32>
    %and3A = arith.andi %ge3A_20, %lt3A_22 : vector<16xi1>
    %ge3A_23 = arith.constant 0 : i32
    %ge3A_24 = vector.broadcast %ge3A_23 : i32 to vector<16xi32>
    %ge3A_25 = arith.cmpi sge, %convert_element_type3A_18, %ge3A_24 : vector<16xi32>
    %and3A_26 = arith.andi %and3A, %ge3A_25 : vector<16xi1>
    %lt3A_27 = arith.constant 80 : i32
    %lt3A_28 = vector.broadcast %lt3A_27 : i32 to vector<16xi32>
    %lt3A_29 = arith.cmpi slt, %convert_element_type3A_18, %lt3A_28 : vector<16xi32>
    %and3A_30 = arith.andi %and3A_26, %lt3A_29 : vector<16xi1>
    %jit3A = arith.constant 3.14428413E-4 : f32
    %jit3A_31 = arith.constant 1.58227849E-4 : f32
    %broadcast_in_dim3A = vector.broadcast %jit3A : f32 to vector<16xf32>
    %broadcast_in_dim3A_32 = vector.broadcast %jit3A_31 : f32 to vector<16xf32>
    %select_n3A = arith.select %and3A_30, %broadcast_in_dim3A, %broadcast_in_dim3A_32 : vector<16xi1>, vector<16xf32>
    %swap3A = arith.constant 0 : index
    %swap3A_33 = tpu.vector_load %arg5[%swap3A] {strides = array<i32>} : memref<128xf32, #tpu.memory_space<vmem>>, vector<16xf32>,
    %swap3A_34 = vector.shape_cast %swap3A_33 : vector<16xf32> to vector<16xf32>
    %swap3A_35 = vector.shape_cast %select_n3A : vector<16xf32> to vector<16xf32>
    tpu.vector_store %arg5[%swap3A], %swap3A_35 {strides = array<i32>} : memref<128xf32, #tpu.memory_space<vmem>>, vector<16xf32>,
    %get3A_36 = arith.constant 0 : i32
    %get3A_37 = arith.index_cast %get3A_36 : i32 to index
    %get3A_38 = arith.constant 16 : index
    %get3A_39 = tpu.vector_load %arg4[%get3A_37, %get3A_38] {strides = array<i32>} : memref<2x128xf32, #tpu.memory_space<vmem>>, vector<1x16xf32>,
    %get3A_40 = vector.shape_cast %get3A_39 : vector<1x16xf32> to vector<16xf32>
    %get3A_41 = arith.constant 1 : i32
    %get3A_42 = arith.index_cast %get3A_41 : i32 to index
    %get3A_43 = arith.constant 16 : index
    %get3A_44 = tpu.vector_load %arg4[%get3A_42, %get3A_43] {strides = array<i32>} : memref<2x128xf32, #tpu.memory_space<vmem>>, vector<1x16xf32>,
    %get3A_45 = vector.shape_cast %get3A_44 : vector<1x16xf32> to vector<16xf32>
    %mul3A_46 = arith.constant 8.000000e+01 : f32
    %mul3A_47 = vector.broadcast %mul3A_46 : f32 to vector<16xf32>
    %mul3A_48 = arith.mulf %get3A_40, %mul3A_47 : vector<16xf32>
    %convert_element_type3A_49 = arith.fptosi %mul3A_48 : vector<16xf32> to vector<16xi32>
    %mul3A_50 = arith.constant 8.000000e+01 : f32
    %mul3A_51 = vector.broadcast %mul3A_50 : f32 to vector<16xf32>
    %mul3A_52 = arith.mulf %get3A_45, %mul3A_51 : vector<16xf32>
    %convert_element_type3A_53 = arith.fptosi %mul3A_52 : vector<16xf32> to vector<16xi32>
    %ge3A_54 = arith.constant 0 : i32
    %ge3A_55 = vector.broadcast %ge3A_54 : i32 to vector<16xi32>
    %ge3A_56 = arith.cmpi sge, %convert_element_type3A_49, %ge3A_55 : vector<16xi32>
    %lt3A_57 = arith.constant 80 : i32
    %lt3A_58 = vector.broadcast %lt3A_57 : i32 to vector<16xi32>
    %lt3A_59 = arith.cmpi slt, %convert_element_type3A_49, %lt3A_58 : vector<16xi32>
    %and3A_60 = arith.andi %ge3A_56, %lt3A_59 : vector<16xi1>
    %ge3A_61 = arith.constant 0 : i32
    %ge3A_62 = vector.broadcast %ge3A_61 : i32 to vector<16xi32>
    %ge3A_63 = arith.cmpi sge, %convert_element_type3A_53, %ge3A_62 : vector<16xi32>
    %and3A_64 = arith.andi %and3A_60, %ge3A_63 : vector<16xi1>
    %lt3A_65 = arith.constant 80 : i32
    %lt3A_66 = vector.broadcast %lt3A_65 : i32 to vector<16xi32>
    %lt3A_67 = arith.cmpi slt, %convert_element_type3A_53, %lt3A_66 : vector<16xi32>
    %and3A_68 = arith.andi %and3A_64, %lt3A_67 : vector<16xi1>
    %jit3A_69 = arith.constant 3.14428413E-4 : f32
    %jit3A_70 = arith.constant 1.58227849E-4 : f32
    %broadcast_in_dim3A_71 = vector.broadcast %jit3A_69 : f32 to vector<16xf32>
    %broadcast_in_dim3A_72 = vector.broadcast %jit3A_70 : f32 to vector<16xf32>
    %select_n3A_73 = arith.select %and3A_68, %broadcast_in_dim3A_71, %broadcast_in_dim3A_72 : vector<16xi1>, vector<16xf32>
    %swap3A_74 = arith.constant 16 : index
    %swap3A_75 = tpu.vector_load %arg5[%swap3A_74] {strides = array<i32>} : memref<128xf32, #tpu.memory_space<vmem>>, vector<16xf32>,
    %swap3A_76 = vector.shape_cast %swap3A_75 : vector<16xf32> to vector<16xf32>
    %swap3A_77 = vector.shape_cast %select_n3A_73 : vector<16xf32> to vector<16xf32>
    tpu.vector_store %arg5[%swap3A_74], %swap3A_77 {strides = array<i32>} : memref<128xf32, #tpu.memory_space<vmem>>, vector<16xf32>,
    %get3A_78 = arith.constant 0 : i32
    %get3A_79 = arith.index_cast %get3A_78 : i32 to index
    %get3A_80 = arith.constant 32 : index
    %get3A_81 = tpu.vector_load %arg4[%get3A_79, %get3A_80] {strides = array<i32>} : memref<2x128xf32, #tpu.memory_space<vmem>>, vector<1x16xf32>,
    %get3A_82 = vector.shape_cast %get3A_81 : vector<1x16xf32> to vector<16xf32>
    %get3A_83 = arith.constant 1 : i32
    %get3A_84 = arith.index_cast %get3A_83 : i32 to index
    %get3A_85 = arith.constant 32 : index
    %get3A_86 = tpu.vector_load %arg4[%get3A_84, %get3A_85] {strides = array<i32>} : memref<2x128xf32, #tpu.memory_space<vmem>>, vector<1x16xf32>,
    %get3A_87 = vector.shape_cast %get3A_86 : vector<1x16xf32> to vector<16xf32>
    %mul3A_88 = arith.constant 8.000000e+01 : f32
    %mul3A_89 = vector.broadcast %mul3A_88 : f32 to vector<16xf32>
    %mul3A_90 = arith.mulf %get3A_82, %mul3A_89 : vector<16xf32>
    %convert_element_type3A_91 = arith.fptosi %mul3A_90 : vector<16xf32> to vector<16xi32>
    %mul3A_92 = arith.constant 8.000000e+01 : f32
    %mul3A_93 = vector.broadcast %mul3A_92 : f32 to vector<16xf32>
    %mul3A_94 = arith.mulf %get3A_87, %mul3A_93 : vector<16xf32>
    %convert_element_type3A_95 = arith.fptosi %mul3A_94 : vector<16xf32> to vector<16xi32>
    %ge3A_96 = arith.constant 0 : i32
    %ge3A_97 = vector.broadcast %ge3A_96 : i32 to vector<16xi32>
    %ge3A_98 = arith.cmpi sge, %convert_element_type3A_91, %ge3A_97 : vector<16xi32>
    %lt3A_99 = arith.constant 80 : i32
    %lt3A_100 = vector.broadcast %lt3A_99 : i32 to vector<16xi32>
    %lt3A_101 = arith.cmpi slt, %convert_element_type3A_91, %lt3A_100 : vector<16xi32>
    %and3A_102 = arith.andi %ge3A_98, %lt3A_101 : vector<16xi1>
    %ge3A_103 = arith.constant 0 : i32
    %ge3A_104 = vector.broadcast %ge3A_103 : i32 to vector<16xi32>
    %ge3A_105 = arith.cmpi sge, %convert_element_type3A_95, %ge3A_104 : vector<16xi32>
    %and3A_106 = arith.andi %and3A_102, %ge3A_105 : vector<16xi1>
    %lt3A_107 = arith.constant 80 : i32
    %lt3A_108 = vector.broadcast %lt3A_107 : i32 to vector<16xi32>
    %lt3A_109 = arith.cmpi slt, %convert_element_type3A_95, %lt3A_108 : vector<16xi32>
    %and3A_110 = arith.andi %and3A_106, %lt3A_109 : vector<16xi1>
    %jit3A_111 = arith.constant 3.14428413E-4 : f32
    %jit3A_112 = arith.constant 1.58227849E-4 : f32
    %broadcast_in_dim3A_113 = vector.broadcast %jit3A_111 : f32 to vector<16xf32>
    %broadcast_in_dim3A_114 = vector.broadcast %jit3A_112 : f32 to vector<16xf32>
    %select_n3A_115 = arith.select %and3A_110, %broadcast_in_dim3A_113, %broadcast_in_dim3A_114 : vector<16xi1>, vector<16xf32>
    %swap3A_116 = arith.constant 32 : index
    %swap3A_117 = tpu.vector_load %arg5[%swap3A_116] {strides = array<i32>} : memref<128xf32, #tpu.memory_space<vmem>>, vector<16xf32>,
    %swap3A_118 = vector.shape_cast %swap3A_117 : vector<16xf32> to vector<16xf32>
    %swap3A_119 = vector.shape_cast %select_n3A_115 : vector<16xf32> to vector<16xf32>
    tpu.vector_store %arg5[%swap3A_116], %swap3A_119 {strides = array<i32>} : memref<128xf32, #tpu.memory_space<vmem>>, vector<16xf32>,
    %get3A_120 = arith.constant 0 : i32
    %get3A_121 = arith.index_cast %get3A_120 : i32 to index
    %get3A_122 = arith.constant 48 : index
    %get3A_123 = tpu.vector_load %arg4[%get3A_121, %get3A_122] {strides = array<i32>} : memref<2x128xf32, #tpu.memory_space<vmem>>, vector<1x16xf32>,
    %get3A_124 = vector.shape_cast %get3A_123 : vector<1x16xf32> to vector<16xf32>
    %get3A_125 = arith.constant 1 : i32
    %get3A_126 = arith.index_cast %get3A_125 : i32 to index
    %get3A_127 = arith.constant 48 : index
    %get3A_128 = tpu.vector_load %arg4[%get3A_126, %get3A_127] {strides = array<i32>} : memref<2x128xf32, #tpu.memory_space<vmem>>, vector<1x16xf32>,
    %get3A_129 = vector.shape_cast %get3A_128 : vector<1x16xf32> to vector<16xf32>
    %mul3A_130 = arith.constant 8.000000e+01 : f32
    %mul3A_131 = vector.broadcast %mul3A_130 : f32 to vector<16xf32>
    %mul3A_132 = arith.mulf %get3A_124, %mul3A_131 : vector<16xf32>
    %convert_element_type3A_133 = arith.fptosi %mul3A_132 : vector<16xf32> to vector<16xi32>
    %mul3A_134 = arith.constant 8.000000e+01 : f32
    %mul3A_135 = vector.broadcast %mul3A_134 : f32 to vector<16xf32>
    %mul3A_136 = arith.mulf %get3A_129, %mul3A_135 : vector<16xf32>
    %convert_element_type3A_137 = arith.fptosi %mul3A_136 : vector<16xf32> to vector<16xi32>
    %ge3A_138 = arith.constant 0 : i32
    %ge3A_139 = vector.broadcast %ge3A_138 : i32 to vector<16xi32>
    %ge3A_140 = arith.cmpi sge, %convert_element_type3A_133, %ge3A_139 : vector<16xi32>
    %lt3A_141 = arith.constant 80 : i32
    %lt3A_142 = vector.broadcast %lt3A_141 : i32 to vector<16xi32>
    %lt3A_143 = arith.cmpi slt, %convert_element_type3A_133, %lt3A_142 : vector<16xi32>
    %and3A_144 = arith.andi %ge3A_140, %lt3A_143 : vector<16xi1>
    %ge3A_145 = arith.constant 0 : i32
    %ge3A_146 = vector.broadcast %ge3A_145 : i32 to vector<16xi32>
    %ge3A_147 = arith.cmpi sge, %convert_element_type3A_137, %ge3A_146 : vector<16xi32>
    %and3A_148 = arith.andi %and3A_144, %ge3A_147 : vector<16xi1>
    %lt3A_149 = arith.constant 80 : i32
    %lt3A_150 = vector.broadcast %lt3A_149 : i32 to vector<16xi32>
    %lt3A_151 = arith.cmpi slt, %convert_element_type3A_137, %lt3A_150 : vector<16xi32>
    %and3A_152 = arith.andi %and3A_148, %lt3A_151 : vector<16xi1>
    %jit3A_153 = arith.constant 3.14428413E-4 : f32
    %jit3A_154 = arith.constant 1.58227849E-4 : f32
    %broadcast_in_dim3A_155 = vector.broadcast %jit3A_153 : f32 to vector<16xf32>
    %broadcast_in_dim3A_156 = vector.broadcast %jit3A_154 : f32 to vector<16xf32>
    %select_n3A_157 = arith.select %and3A_152, %broadcast_in_dim3A_155, %broadcast_in_dim3A_156 : vector<16xi1>, vector<16xf32>
    %swap3A_158 = arith.constant 48 : index
    %swap3A_159 = tpu.vector_load %arg5[%swap3A_158] {strides = array<i32>} : memref<128xf32, #tpu.memory_space<vmem>>, vector<16xf32>,
    %swap3A_160 = vector.shape_cast %swap3A_159 : vector<16xf32> to vector<16xf32>
    %swap3A_161 = vector.shape_cast %select_n3A_157 : vector<16xf32> to vector<16xf32>
    tpu.vector_store %arg5[%swap3A_158], %swap3A_161 {strides = array<i32>} : memref<128xf32, #tpu.memory_space<vmem>>, vector<16xf32>,
    %get3A_162 = arith.constant 0 : i32
    %get3A_163 = arith.index_cast %get3A_162 : i32 to index
    %get3A_164 = arith.constant 64 : index
    %get3A_165 = tpu.vector_load %arg4[%get3A_163, %get3A_164] {strides = array<i32>} : memref<2x128xf32, #tpu.memory_space<vmem>>, vector<1x16xf32>,
    %get3A_166 = vector.shape_cast %get3A_165 : vector<1x16xf32> to vector<16xf32>
    %get3A_167 = arith.constant 1 : i32
    %get3A_168 = arith.index_cast %get3A_167 : i32 to index
    %get3A_169 = arith.constant 64 : index
    %get3A_170 = tpu.vector_load %arg4[%get3A_168, %get3A_169] {strides = array<i32>} : memref<2x128xf32, #tpu.memory_space<vmem>>, vector<1x16xf32>,
    %get3A_171 = vector.shape_cast %get3A_170 : vector<1x16xf32> to vector<16xf32>
    %mul3A_172 = arith.constant 8.000000e+01 : f32
    %mul3A_173 = vector.broadcast %mul3A_172 : f32 to vector<16xf32>
    %mul3A_174 = arith.mulf %get3A_166, %mul3A_173 : vector<16xf32>
    %convert_element_type3A_175 = arith.fptosi %mul3A_174 : vector<16xf32> to vector<16xi32>
    %mul3A_176 = arith.constant 8.000000e+01 : f32
    %mul3A_177 = vector.broadcast %mul3A_176 : f32 to vector<16xf32>
    %mul3A_178 = arith.mulf %get3A_171, %mul3A_177 : vector<16xf32>
    %convert_element_type3A_179 = arith.fptosi %mul3A_178 : vector<16xf32> to vector<16xi32>
    %ge3A_180 = arith.constant 0 : i32
    %ge3A_181 = vector.broadcast %ge3A_180 : i32 to vector<16xi32>
    %ge3A_182 = arith.cmpi sge, %convert_element_type3A_175, %ge3A_181 : vector<16xi32>
    %lt3A_183 = arith.constant 80 : i32
    %lt3A_184 = vector.broadcast %lt3A_183 : i32 to vector<16xi32>
    %lt3A_185 = arith.cmpi slt, %convert_element_type3A_175, %lt3A_184 : vector<16xi32>
    %and3A_186 = arith.andi %ge3A_182, %lt3A_185 : vector<16xi1>
    %ge3A_187 = arith.constant 0 : i32
    %ge3A_188 = vector.broadcast %ge3A_187 : i32 to vector<16xi32>
    %ge3A_189 = arith.cmpi sge, %convert_element_type3A_179, %ge3A_188 : vector<16xi32>
    %and3A_190 = arith.andi %and3A_186, %ge3A_189 : vector<16xi1>
    %lt3A_191 = arith.constant 80 : i32
    %lt3A_192 = vector.broadcast %lt3A_191 : i32 to vector<16xi32>
    %lt3A_193 = arith.cmpi slt, %convert_element_type3A_179, %lt3A_192 : vector<16xi32>
    %and3A_194 = arith.andi %and3A_190, %lt3A_193 : vector<16xi1>
    %jit3A_195 = arith.constant 3.14428413E-4 : f32
    %jit3A_196 = arith.constant 1.58227849E-4 : f32
    %broadcast_in_dim3A_197 = vector.broadcast %jit3A_195 : f32 to vector<16xf32>
    %broadcast_in_dim3A_198 = vector.broadcast %jit3A_196 : f32 to vector<16xf32>
    %select_n3A_199 = arith.select %and3A_194, %broadcast_in_dim3A_197, %broadcast_in_dim3A_198 : vector<16xi1>, vector<16xf32>
    %swap3A_200 = arith.constant 64 : index
    %swap3A_201 = tpu.vector_load %arg5[%swap3A_200] {strides = array<i32>} : memref<128xf32, #tpu.memory_space<vmem>>, vector<16xf32>,
    %swap3A_202 = vector.shape_cast %swap3A_201 : vector<16xf32> to vector<16xf32>
    %swap3A_203 = vector.shape_cast %select_n3A_199 : vector<16xf32> to vector<16xf32>
    tpu.vector_store %arg5[%swap3A_200], %swap3A_203 {strides = array<i32>} : memref<128xf32, #tpu.memory_space<vmem>>, vector<16xf32>,
    %get3A_204 = arith.constant 0 : i32
    %get3A_205 = arith.index_cast %get3A_204 : i32 to index
    %get3A_206 = arith.constant 80 : index
    %get3A_207 = tpu.vector_load %arg4[%get3A_205, %get3A_206] {strides = array<i32>} : memref<2x128xf32, #tpu.memory_space<vmem>>, vector<1x16xf32>,
    %get3A_208 = vector.shape_cast %get3A_207 : vector<1x16xf32> to vector<16xf32>
    %get3A_209 = arith.constant 1 : i32
    %get3A_210 = arith.index_cast %get3A_209 : i32 to index
    %get3A_211 = arith.constant 80 : index
    %get3A_212 = tpu.vector_load %arg4[%get3A_210, %get3A_211] {strides = array<i32>} : memref<2x128xf32, #tpu.memory_space<vmem>>, vector<1x16xf32>,
    %get3A_213 = vector.shape_cast %get3A_212 : vector<1x16xf32> to vector<16xf32>
    %mul3A_214 = arith.constant 8.000000e+01 : f32
    %mul3A_215 = vector.broadcast %mul3A_214 : f32 to vector<16xf32>
    %mul3A_216 = arith.mulf %get3A_208, %mul3A_215 : vector<16xf32>
    %convert_element_type3A_217 = arith.fptosi %mul3A_216 : vector<16xf32> to vector<16xi32>
    %mul3A_218 = arith.constant 8.000000e+01 : f32
    %mul3A_219 = vector.broadcast %mul3A_218 : f32 to vector<16xf32>
    %mul3A_220 = arith.mulf %get3A_213, %mul3A_219 : vector<16xf32>
    %convert_element_type3A_221 = arith.fptosi %mul3A_220 : vector<16xf32> to vector<16xi32>
    %ge3A_222 = arith.constant 0 : i32
    %ge3A_223 = vector.broadcast %ge3A_222 : i32 to vector<16xi32>
    %ge3A_224 = arith.cmpi sge, %convert_element_type3A_217, %ge3A_223 : vector<16xi32>
    %lt3A_225 = arith.constant 80 : i32
    %lt3A_226 = vector.broadcast %lt3A_225 : i32 to vector<16xi32>
    %lt3A_227 = arith.cmpi slt, %convert_element_type3A_217, %lt3A_226 : vector<16xi32>
    %and3A_228 = arith.andi %ge3A_224, %lt3A_227 : vector<16xi1>
    %ge3A_229 = arith.constant 0 : i32
    %ge3A_230 = vector.broadcast %ge3A_229 : i32 to vector<16xi32>
    %ge3A_231 = arith.cmpi sge, %convert_element_type3A_221, %ge3A_230 : vector<16xi32>
    %and3A_232 = arith.andi %and3A_228, %ge3A_231 : vector<16xi1>
    %lt3A_233 = arith.constant 80 : i32
    %lt3A_234 = vector.broadcast %lt3A_233 : i32 to vector<16xi32>
    %lt3A_235 = arith.cmpi slt, %convert_element_type3A_221, %lt3A_234 : vector<16xi32>
    %and3A_236 = arith.andi %and3A_232, %lt3A_235 : vector<16xi1>
    %jit3A_237 = arith.constant 3.14428413E-4 : f32
    %jit3A_238 = arith.constant 1.58227849E-4 : f32
    %broadcast_in_dim3A_239 = vector.broadcast %jit3A_237 : f32 to vector<16xf32>
    %broadcast_in_dim3A_240 = vector.broadcast %jit3A_238 : f32 to vector<16xf32>
    %select_n3A_241 = arith.select %and3A_236, %broadcast_in_dim3A_239, %broadcast_in_dim3A_240 : vector<16xi1>, vector<16xf32>
    %swap3A_242 = arith.constant 80 : index
    %swap3A_243 = tpu.vector_load %arg5[%swap3A_242] {strides = array<i32>} : memref<128xf32, #tpu.memory_space<vmem>>, vector<16xf32>,
    %swap3A_244 = vector.shape_cast %swap3A_243 : vector<16xf32> to vector<16xf32>
    %swap3A_245 = vector.shape_cast %select_n3A_241 : vector<16xf32> to vector<16xf32>
    tpu.vector_store %arg5[%swap3A_242], %swap3A_245 {strides = array<i32>} : memref<128xf32, #tpu.memory_space<vmem>>, vector<16xf32>,
    %get3A_246 = arith.constant 0 : i32
    %get3A_247 = arith.index_cast %get3A_246 : i32 to index
    %get3A_248 = arith.constant 96 : index
    %get3A_249 = tpu.vector_load %arg4[%get3A_247, %get3A_248] {strides = array<i32>} : memref<2x128xf32, #tpu.memory_space<vmem>>, vector<1x16xf32>,
    %get3A_250 = vector.shape_cast %get3A_249 : vector<1x16xf32> to vector<16xf32>
    %get3A_251 = arith.constant 1 : i32
    %get3A_252 = arith.index_cast %get3A_251 : i32 to index
    %get3A_253 = arith.constant 96 : index
    %get3A_254 = tpu.vector_load %arg4[%get3A_252, %get3A_253] {strides = array<i32>} : memref<2x128xf32, #tpu.memory_space<vmem>>, vector<1x16xf32>,
    %get3A_255 = vector.shape_cast %get3A_254 : vector<1x16xf32> to vector<16xf32>
    %mul3A_256 = arith.constant 8.000000e+01 : f32
    %mul3A_257 = vector.broadcast %mul3A_256 : f32 to vector<16xf32>
    %mul3A_258 = arith.mulf %get3A_250, %mul3A_257 : vector<16xf32>
    %convert_element_type3A_259 = arith.fptosi %mul3A_258 : vector<16xf32> to vector<16xi32>
    %mul3A_260 = arith.constant 8.000000e+01 : f32
    %mul3A_261 = vector.broadcast %mul3A_260 : f32 to vector<16xf32>
    %mul3A_262 = arith.mulf %get3A_255, %mul3A_261 : vector<16xf32>
    %convert_element_type3A_263 = arith.fptosi %mul3A_262 : vector<16xf32> to vector<16xi32>
    %ge3A_264 = arith.constant 0 : i32
    %ge3A_265 = vector.broadcast %ge3A_264 : i32 to vector<16xi32>
    %ge3A_266 = arith.cmpi sge, %convert_element_type3A_259, %ge3A_265 : vector<16xi32>
    %lt3A_267 = arith.constant 80 : i32
    %lt3A_268 = vector.broadcast %lt3A_267 : i32 to vector<16xi32>
    %lt3A_269 = arith.cmpi slt, %convert_element_type3A_259, %lt3A_268 : vector<16xi32>
    %and3A_270 = arith.andi %ge3A_266, %lt3A_269 : vector<16xi1>
    %ge3A_271 = arith.constant 0 : i32
    %ge3A_272 = vector.broadcast %ge3A_271 : i32 to vector<16xi32>
    %ge3A_273 = arith.cmpi sge, %convert_element_type3A_263, %ge3A_272 : vector<16xi32>
    %and3A_274 = arith.andi %and3A_270, %ge3A_273 : vector<16xi1>
    %lt3A_275 = arith.constant 80 : i32
    %lt3A_276 = vector.broadcast %lt3A_275 : i32 to vector<16xi32>
    %lt3A_277 = arith.cmpi slt, %convert_element_type3A_263, %lt3A_276 : vector<16xi32>
    %and3A_278 = arith.andi %and3A_274, %lt3A_277 : vector<16xi1>
    %jit3A_279 = arith.constant 3.14428413E-4 : f32
    %jit3A_280 = arith.constant 1.58227849E-4 : f32
    %broadcast_in_dim3A_281 = vector.broadcast %jit3A_279 : f32 to vector<16xf32>
    %broadcast_in_dim3A_282 = vector.broadcast %jit3A_280 : f32 to vector<16xf32>
    %select_n3A_283 = arith.select %and3A_278, %broadcast_in_dim3A_281, %broadcast_in_dim3A_282 : vector<16xi1>, vector<16xf32>
    %swap3A_284 = arith.constant 96 : index
    %swap3A_285 = tpu.vector_load %arg5[%swap3A_284] {strides = array<i32>} : memref<128xf32, #tpu.memory_space<vmem>>, vector<16xf32>,
    %swap3A_286 = vector.shape_cast %swap3A_285 : vector<16xf32> to vector<16xf32>
    %swap3A_287 = vector.shape_cast %select_n3A_283 : vector<16xf32> to vector<16xf32>
    tpu.vector_store %arg5[%swap3A_284], %swap3A_287 {strides = array<i32>} : memref<128xf32, #tpu.memory_space<vmem>>, vector<16xf32>,
    %get3A_288 = arith.constant 0 : i32
    %get3A_289 = arith.index_cast %get3A_288 : i32 to index
    %get3A_290 = arith.constant 112 : index
    %get3A_291 = tpu.vector_load %arg4[%get3A_289, %get3A_290] {strides = array<i32>} : memref<2x128xf32, #tpu.memory_space<vmem>>, vector<1x16xf32>,
    %get3A_292 = vector.shape_cast %get3A_291 : vector<1x16xf32> to vector<16xf32>
    %get3A_293 = arith.constant 1 : i32
    %get3A_294 = arith.index_cast %get3A_293 : i32 to index
    %get3A_295 = arith.constant 112 : index
    %get3A_296 = tpu.vector_load %arg4[%get3A_294, %get3A_295] {strides = array<i32>} : memref<2x128xf32, #tpu.memory_space<vmem>>, vector<1x16xf32>,
    %get3A_297 = vector.shape_cast %get3A_296 : vector<1x16xf32> to vector<16xf32>
    %mul3A_298 = arith.constant 8.000000e+01 : f32
    %mul3A_299 = vector.broadcast %mul3A_298 : f32 to vector<16xf32>
    %mul3A_300 = arith.mulf %get3A_292, %mul3A_299 : vector<16xf32>
    %convert_element_type3A_301 = arith.fptosi %mul3A_300 : vector<16xf32> to vector<16xi32>
    %mul3A_302 = arith.constant 8.000000e+01 : f32
    %mul3A_303 = vector.broadcast %mul3A_302 : f32 to vector<16xf32>
    %mul3A_304 = arith.mulf %get3A_297, %mul3A_303 : vector<16xf32>
    %convert_element_type3A_305 = arith.fptosi %mul3A_304 : vector<16xf32> to vector<16xi32>
    %ge3A_306 = arith.constant 0 : i32
    %ge3A_307 = vector.broadcast %ge3A_306 : i32 to vector<16xi32>
    %ge3A_308 = arith.cmpi sge, %convert_element_type3A_301, %ge3A_307 : vector<16xi32>
    %lt3A_309 = arith.constant 80 : i32
    %lt3A_310 = vector.broadcast %lt3A_309 : i32 to vector<16xi32>
    %lt3A_311 = arith.cmpi slt, %convert_element_type3A_301, %lt3A_310 : vector<16xi32>
    %and3A_312 = arith.andi %ge3A_308, %lt3A_311 : vector<16xi1>
    %ge3A_313 = arith.constant 0 : i32
    %ge3A_314 = vector.broadcast %ge3A_313 : i32 to vector<16xi32>
    %ge3A_315 = arith.cmpi sge, %convert_element_type3A_305, %ge3A_314 : vector<16xi32>
    %and3A_316 = arith.andi %and3A_312, %ge3A_315 : vector<16xi1>
    %lt3A_317 = arith.constant 80 : i32
    %lt3A_318 = vector.broadcast %lt3A_317 : i32 to vector<16xi32>
    %lt3A_319 = arith.cmpi slt, %convert_element_type3A_305, %lt3A_318 : vector<16xi32>
    %and3A_320 = arith.andi %and3A_316, %lt3A_319 : vector<16xi1>
    %jit3A_321 = arith.constant 3.14428413E-4 : f32
    %jit3A_322 = arith.constant 1.58227849E-4 : f32
    %broadcast_in_dim3A_323 = vector.broadcast %jit3A_321 : f32 to vector<16xf32>
    %broadcast_in_dim3A_324 = vector.broadcast %jit3A_322 : f32 to vector<16xf32>
    %select_n3A_325 = arith.select %and3A_320, %broadcast_in_dim3A_323, %broadcast_in_dim3A_324 : vector<16xi1>, vector<16xf32>
    %swap3A_326 = arith.constant 112 : index
    %swap3A_327 = tpu.vector_load %arg5[%swap3A_326] {strides = array<i32>} : memref<128xf32, #tpu.memory_space<vmem>>, vector<16xf32>,
    %swap3A_328 = vector.shape_cast %swap3A_327 : vector<16xf32> to vector<16xf32>
    %swap3A_329 = vector.shape_cast %select_n3A_325 : vector<16xf32> to vector<16xf32>
    tpu.vector_store %arg5[%swap3A_326], %swap3A_329 {strides = array<i32>} : memref<128xf32, #tpu.memory_space<vmem>>, vector<16xf32>,
    "tpu.region"() ({
      %run_scoped3A = tpu.sem_alloc : memref<!tpu.dma_semaphore, #tpu.memory_space<semaphore_mem>>
      %dma_start3A = tpu.memref_slice %arg3[%mul3A_2] : memref<4096xf32, #tpu.memory_space<hbm>> -> memref<128xf32, #tpu.memory_space<hbm>>
      %dma_start3A_330 = tpu.memref_slice %arg3[%mul3A_2] : memref<4096xf32, #tpu.memory_space<hbm>> -> memref<128xf32, #tpu.memory_space<hbm>>
      tpu.enqueue_dma source(%arg5 : memref<128xf32, #tpu.memory_space<vmem>>) target(%dma_start3A_330 : memref<128xf32, #tpu.memory_space<hbm>>) target_semaphore(%run_scoped3A : memref<!tpu.dma_semaphore, #tpu.memory_space<semaphore_mem>>)
      %dma_wait3A = tpu.memref_slice %arg3[%mul3A_2] : memref<4096xf32, #tpu.memory_space<hbm>> -> memref<128xf32, #tpu.memory_space<hbm>>
      %dma_wait3A_331 = tpu.memref_slice %arg3[%mul3A_2] : memref<4096xf32, #tpu.memory_space<hbm>> -> memref<128xf32, #tpu.memory_space<hbm>>
      tpu.wait_dma2 semaphore(%run_scoped3A : memref<!tpu.dma_semaphore, #tpu.memory_space<semaphore_mem>>) src(%arg5 : memref<128xf32, #tpu.memory_space<vmem>>) dst(%dma_wait3A_331 : memref<128xf32, #tpu.memory_space<hbm>>)
      tpu.yield
    }) : () -> ()
    return
  }
}

</mosaic_0001>

<sc_bundles>
// kernel: _sc_wsum.3.cloned.1.call-start
scs
__scs_entry_jumppad:
0x0: {  	(pc) =	sbr.rel $0x88, $3  }
0x1: {  	(tag) =	ssettag $0x0;
	lr =	simm.s32 $0x1  }
0x2: {  	[smem:$0x3FA0] =	sst lr;
	_ =	strace $0xD0000000  }
0x3: {  	_ = 	snop  }
0x4: {  	_ = 	snop  }
0x5: {  	_ = 	snop  }
0x6: {  	_ = 	snop  }
0x7: {  	_ = 	snop  }
__scs_overlays_trampoline_lowered:
0x8: {  	[smem:$0x3FAF] =	sst s0  }
0x9: {  	[smem:$0x3FB0] =	sst s1  }
0xa: {  	[smem:$0x3FB1] =	sst s2  }
0xb: {  	[smem:$0x3FB2] =	sst s3  }
0xc: {  	[smem:$0x3FB3] =	sst s4  }
0xd: {  	[smem:$0x3FB4] =	sst s5  }
0xe: {  	[smem:$0x3FB5] =	sst s6  }
0xf: {  	[smem:$0x3FB6] =	sst s7  }
0x10: {  	[smem:$0x3FB7] =	sst s8  }
0x11: {  	[smem:$0x3FB8] =	sst s9;
	s0 =	simm.s32 @!p0 $0x0  }
0x12: {  	s1 =	sld [smem:$0x3F9E];
	s0 =	simm.s32 @p0 $0x1  }
0x13: {  	[smem:$0x3FB9] =	sst s0;
	s0 =	simm.s32 @!p1 $0x0  }
0x14: {  	s2 =	sld [smem:$0x3F9D];
	s0 =	simm.s32 @p1 $0x1  }
0x15: {  	[smem:$0x3FBA] =	sst s0;
	s0 =	simm.s32 @!p2 $0x0  }
0x16: {  	s3 =	sld [smem:$0x3FDB];
	s0 =	simm.s32 @p2 $0x1  }
0x17: {  	s4 =	simm.s32 $0x1BF5;
	[smem:$0x3FBC] =	sst s0  }
0x18: {  	s0 =	sld [smem:$0x3F9F];
	_ =	swait.ge [sflag:s4], $0x0  }
0x19: {  	s7 =	sld [smem:$0x3FA0]  }
0x1a: {  	s8 =	sadd.s32 $0xFFFFE003, lr  }
0x1b: {  	s9 =	sadd.s32 $0xFFFFFEF7, lr;
	s5 =	simm.s32 $0xFFFFFFFF;
	p2 =	slt.u32 s8, $0xFFFFF086  }
0x1c: {  	p1 =	slt.u32 s9, $0xF7A;
	s5 =	simm.s32 @!p2 $0x0  }
0x1d: {  	s5 =	simm.s32 @p1 $0x1;
	p0 =	seq.s32 s7, s2  }
0x1e: {  	s7 =	smul.u32 @!p0 $0xF7A, s2;
	p2 =	seq.s32 @!p0 s5, $0x0  }
0x1f: {  	s9 =	smul.u32 $0xF7A, s1;
	s8 =	simm.s32 @!p0 $0x1BF5;
	p2 =	por !p2, p0  }
0x20: {  	[sflag:s8] =	ssyncset.s32 @!p0 $0xFFFFF086;
	s6 =	sadd.s32 @!p0 s3, s7;
	s7 =	simm.s32 @!p0 $0x108  }
0x21: {  	s3 =	sadd.s32 s3, s9;
	s6 =	sadd.s32 @!p0 $0x88, s6;
	s7 =	simm.s32 @p2 $0x1082  }
0x22: {  	[simem:s7], [sflag:s8] =	dma.local @!p0 [hbm:s6], $0xF7A  }
0x23: {  	s9 =	sor.u32 $0xD0000000, s2;
	s6 =	simm.s32 $0x108;
	_ =	swait.ge @!p0 [sflag:s8], $0x0  }
0x24: {  	s3 =	sadd.s32 $0x88, s3;
	s6 =	simm.s32 @!p1 $0x1082;
	[sflag:s4] =	ssyncset.s32 $0xFFFFF086  }
0x25: {  	[simem:s6], [sflag:s4] =	dma.local [hbm:s3], $0xF7A  }
0x26: {  	[smem:$0x3FA0] =	sst s1;
	(tag) =	ssettag s2;
	_ =	strace s9  }
0x27: {  	s1 =	sld [smem:$0x3FB0]  }
0x28: {  	s2 =	sld [smem:$0x3FB1]  }
0x29: {  	s4 =	sld [smem:$0x3FB3]  }
0x2a: {  	p0 =	seq.s32 s5, $0x0;
	s5 =	sld [smem:$0x3FB4]  }
0x2b: {  	s6 =	sld [smem:$0x3FB5]  }
0x2c: {  	s7 =	sld [smem:$0x3FB6]  }
0x2d: {  	s3 =	simm.s32 $0x108;
	s8 =	sld [smem:$0x3FB7]  }
0x2e: {  	s3 =	simm.s32 @!p0 $0x1082;
	s9 =	sld [smem:$0x3FB8]  }
0x2f: {  	lr =	sadd.s32 s0, s3;
	s0 =	sld [smem:$0x3FAF]  }
0x30: {  	s3 =	sld [smem:$0x3FB2]  }
0x31: {  	[smem:$0x3FBB] =	sst s10  }
0x32: {  	s10 =	sld [smem:$0x3FB9];
	_ =	sdelay $0x3  }
0x33: {  	p0 =	seq.s32 s10, $0x1;
	s10 =	sld [smem:$0x3FBB];
	_ =	sdelay $0x3  }
0x34: {  	[smem:$0x3FBB] =	sst s10  }
0x35: {  	s10 =	sld [smem:$0x3FBA];
	_ =	sdelay $0x3  }
0x36: {  	p1 =	seq.s32 s10, $0x1;
	s10 =	sld [smem:$0x3FBB];
	_ =	sdelay $0x3  }
0x37: {  	[smem:$0x3FBB] =	sst s10  }
0x38: {  	s10 =	sld [smem:$0x3FBC]  }
0x39: {  	_ = 	snop;
	(pc) =	sbr.ind lr, $3  }
0x3a: {  	_ = 	snop  }
0x3b: {  	_ = 	snop  }
0x3c: {  	p2 =	seq.s32 s10, $0x1;
	s10 =	sld [smem:$0x3FBB]  }
0x3d: {  	_ =	shalt  }
0x3e: {  	_ =	shalt  }
0x3f: {  	_ =	shalt  }
0x40: {  	_ =	shalt  }
0x41: {  	_ =	shalt  }
0x42: {  	_ =	shalt  }
0x43: {  	_ =	shalt  }
0x44: {  	_ =	shalt  }
0x45: {  	_ =	shalt  }
0x46: {  	_ =	shalt  }
0x47: {  	_ =	shalt  }
0x48: {  	_ =	shalt  }
0x49: {  	_ =	shalt  }
0x4a: {  	_ =	shalt  }
0x4b: {  	_ =	shalt  }
0x4c: {  	_ =	shalt  }
0x4d: {  	_ =	shalt  }
0x4e: {  	_ =	shalt  }
0x4f: {  	_ =	shalt  }
0x50: {  	_ =	shalt  }
0x51: {  	_ =	shalt  }
0x52: {  	_ =	shalt  }
0x53: {  	_ =	shalt  }
0x54: {  	_ =	shalt  }
0x55: {  	_ =	shalt  }
0x56: {  	_ =	shalt  }
0x57: {  	_ =	shalt  }
0x58: {  	_ =	shalt  }
0x59: {  	_ =	shalt  }
0x5a: {  	_ =	shalt  }
0x5b: {  	_ =	shalt  }
0x5c: {  	_ =	shalt  }
0x5d: {  	_ =	shalt  }
0x5e: {  	_ =	shalt  }
0x5f: {  	_ =	shalt  }
0x60: {  	_ =	shalt  }
0x61: {  	_ =	shalt  }
0x62: {  	_ =	shalt  }
0x63: {  	_ =	shalt  }
0x64: {  	_ =	shalt  }
0x65: {  	_ =	shalt  }
0x66: {  	_ =	shalt  }
0x67: {  	_ =	shalt  }
0x68: {  	_ =	shalt  }
0x69: {  	_ =	shalt  }
0x6a: {  	_ =	shalt  }
0x6b: {  	_ =	shalt  }
0x6c: {  	_ =	shalt  }
0x6d: {  	_ =	shalt  }
0x6e: {  	_ =	shalt  }
0x6f: {  	_ =	shalt  }
0x70: {  	_ =	shalt  }
0x71: {  	_ =	shalt  }
0x72: {  	_ =	shalt  }
0x73: {  	_ =	shalt  }
0x74: {  	_ =	shalt  }
0x75: {  	_ =	shalt  }
0x76: {  	_ =	shalt  }
0x77: {  	_ =	shalt  }
0x78: {  	_ =	shalt  }
0x79: {  	_ =	shalt  }
0x7a: {  	_ =	shalt  }
0x7b: {  	_ =	shalt  }
0x7c: {  	_ =	shalt  }
0x7d: {  	_ =	shalt  }
0x7e: {  	_ =	shalt  }
0x7f: {  	_ =	shalt  }
0x80: {  	_ =	shalt  }
0x81: {  	_ =	shalt  }
0x82: {  	_ =	shalt  }
0x83: {  	_ =	shalt  }
0x84: {  	_ =	shalt  }
0x85: {  	_ =	shalt  }
0x86: {  	_ =	shalt  }
0x87: {  	_ =	shalt  }
.Lfunc_end0:
.L_simem_size_0:
called_computation_lowered:
.L_overlay_start_0:
0x88: {  	s2 =	sld [smem:$0x3FD9]  }
0x89: {  	s3 =	sld [smem:$0x3FFE];
	_ =	sdelay $0x1  }
0x8a: {  	s1 =	srdreg.scid  }
0x8b: {  	s0 =	sand.u32 $0x1, s1  }
0x8c: {  	s18 =	sshll.u32 s0, $0xA;
	s2 =	sadd.s32 s3, s2  }
0x8d: {  	s2 =	sadd.s32 s2, s18  }
0x8e: {  	[smem:$0x3FC7] =	sst s2  }
0x8f: {  	_ = 	snop  }
0x90: {  	s2 =	sld [smem:$0x3FC9]  }
0x91: {  	s19 =	sld [smem:$0x3FD0];
	(tm) =	ssettm $0x1  }
0x92: {  	s4 =	sld [smem:$0x3FFB];
	_ =	sdelay $0x3  }
0x93: {  	_ =	strace s4  }
0x94: {  	s4 =	sld [smem:$0x3FFC];
	_ =	sdelay $0x3  }
0x95: {  	_ =	strace s4  }
0x96: {  	s4 =	sld [smem:$0x3FFD];
	_ =	sdelay $0x3  }
0x97: {  	_ =	strace s4  }
0x98: {  	_ =	strace $0x8FFFFFFF  }
0x99: {  	s20 =	sld [smem:$0x3FDB];
	_ =	sdelay $0x1  }
0x9a: {  	s5 =	simm.s32 $_scs_section_size  }
0x9b: {  	s6 =	simm.s32 $_size__tile_overlayer_lowered;
	s7 =	simm.s32 $_tile_overlayer_lowered  }
0x9c: {  	s23 =	simm.s32 $0x1BFF;
	s22 =	sshll.u32 s7, $0x1;
	s4 =	sadd.s32 s5, s20  }
0x9d: {  	s8 =	simm.s32 $0x0;
	s21 =	sshll.u32 s6, $0x1;
	s6 =	sadd.s32 s22, s4  }
0x9e: {  	[timem:s8], [sflag:s23] =	dma.local [hbm:s6], s21  }
0x9f: {  	_ =	swait.ge [sflag:s23], s21  }
0xa0: {  	s5 =	ssub.s32 $0x0, s21;
	[sflag:s23] =	ssyncset.done $0x0  }
0xa1: {  	[sflag:s23] =	ssyncadd.s32 s5;
	_ =	sdelay $0x1  }
0xa2: {  	s24 =	simm.s32 $0x1B8B  }
0xa3: {  	_ =	swait.ge [sflag:s24], $0x1  }
0xa4: {  	[sflag:s24] =	ssyncset.done $0x0  }
0xa5: {  	s25 =	simm.s32 $0x1B8E;
	[sflag:s24] =	ssyncadd.s32 $0xFFFFFFFF  }
0xa6: {  	s26 =	simm.s32 $execute0_lowered;
	[smem:$0x3FD2] =	sst s25  }
0xa7: {  	s5 =	sshll.u32 s26, $0x1;
	_ =	strace $0x80000046;
	[dreg:$0x1] =	wrdreg $0xFFFFFFFF  }
0xa8: {  	s28 =	simm.s32 $_size_execute0_lowered;
	s4 =	sadd.s32 s4, s5;
	[dreg:$0x0] =	wrdreg $0x0  }
0xa9: {  	s5 =	sshll.u32 s28, $0x1;
	[dreg:$0x2] =	wrdreg s4  }
0xaa: {  	[dreg:$0x3] =	wrdreg s5  }
0xab: {  	[dreg:$0x4] =	wrdreg $0xC0  }
0xac: {  	_ =	task [dreg:s8], $0x5FFFF  }
0xad: {  	[dreg:$0x1] =	wrdreg $0xFFFFFFFF  }
0xae: {  	[dreg:$0x0] =	wrdreg $0x60  }
0xaf: {  	[dreg:$0x2] =	wrdreg s2  }
0xb0: {  	[dreg:$0x3] =	wrdreg s19  }
0xb1: {  	[dreg:$0x4] =	wrdreg $0x9  }
0xb2: {  	_ =	task.clear_ibuf [dreg:s8], $0x5FFFF;
	_ =	strace $0x90000046  }
0xb3: {  	s29 =	simm.s32 $0x9;
	_ =	strace $0x80000048  }
0xb4: {  	_ =	swait.ge [sflag:s29], $0x1  }
0xb5: {  	[sflag:s29] =	ssyncadd.s32 $0xFFFFFFFF  }
0xb6: {  	_ =	strace $0x90000048  }
0xb7: {  	_ =	sfence  }
0xb8: {  	s30 =	sld [smem:$0x0];
	_ =	sdelay $0x2  }
0xb9: {  	s31 =	sshll.u32 s1, $0xD;
	s1 =	sshrl.u32 s1, $0x2  }
0xba: {  	s3 =	sand.u32 $0x4000, s31;
	s1 =	sadd.s32 s1, s30  }
0xbb: {  	s0 =	sor.u32 s3, s0;
	s1 =	sshll.u32 s1, $0x11  }
0xbc: {  	s0 =	sor.u32 s1, s0  }
0xbd: {  	s0 =	sadd.s32 $0x8F2B, s0  }
0xbe: {  	[sflag:s0] =	ssyncadd.remote.s32 $0x1  }
0xbf: {  	_ =	sfence.sel $0xFFFF  }
0xc0: {  	[dreg:$0x0] =	wrdreg $0xFFFFFFFF;
	(pc) =	sbr.abs _section_cstart, $3  }
0xc1: {  	[dreg:$0x1] =	wrdreg $0xFFFFFFFF  }
0xc2: {  	_ =	task.clear_ibuf [dreg:s8], $0x2FFFF;
	_ =	strace $0x9FFFFFFF  }
0xc3: {  	(tm) =	ssettm $0x7FFFFFFF  }
tec
execute0_lowered:
.L_overlay_start_1:
0x0: {  	(tag) =	ssettag $0x1  }
0x1: {  	s3 =	rddreg [dreg:$0x0]  }
0x2: {  	s1 =	srdreg.scid;
	s0 =	stileid.u32  }
0x3: {  	s4 =	rddreg [dreg:$0x1];
	s5 =	sand.u32 $0x1, s1;
	s6 =	sshll.u32 s0, $0x1  }
0x4: {  	s2 =	simm.s32 $0x0;
	s1 =	rddreg [dreg:$0x2];
	s7 =	sor.u32 s5, s6  }
0x5: {  	[smem:$0x7FF] =	sst s2;
	s6 =	sshll.u32 s7, $0x5  }
0x6: {  	_ =	strace $0x80000047;
	s6 =	sadd.s32 s3, s6;
	s3 =	simm.s32 $0x1  }
0x7: {  	[tilespmem:s2], [sflag:$0x1] =	stream.linear.gather [hbm4b:s6+s2], $0x100, $0x38;
	[tilespmem:$0x180] =	vst v63  }
0x8: {  	_ =	swait.ge [sflag:s3], $0x100  }
0x9: {  	[sflag:s3] =	ssyncset.done $0x0  }
0xa: {  	[sflag:s3] =	ssyncadd.s32 $0xFFFFFF00  }
0xb: {  	v0 =	vld [tilespmem:$0xF0]  }
0xc: {  	v1 =	vld [tilespmem:$0x70]  }
0xd: {  	v2 =	vld [tilespmem:$0x20]  }
0xe: {  	v4 =	vld [tilespmem:$0xE0]  }
0xf: {  	v5 =	vld [tilespmem:$0x10]  }
0x10: {  	v3 =	vld [tilespmem:$0x80];
	_ =	sdelay $0x1  }
0x11: {  	v0 =	vmul.f32 $8.000000000e+01, v0;
	v1 =	vmul.f32 $8.000000000e+01, v1  }
0x12: {  	s5 =	ssub.s32 $0x2, s5;
	v6 =	vld [tilespmem:$0x60];
	v2 =	vmul.f32 $8.000000000e+01, v2;
	v11 =	vmul.f32 $8.000000000e+01, v4  }
0x13: {  	s8 =	sshrl.u32 s5, $0x1;
	v9 =	vld [tilespmem:$0x0];
	v5 =	vmul.f32 $8.000000000e+01, v5;
	v7 =	vtrunc.f32 v0  }
0x14: {  	s5 =	ssub.s32 s5, s8;
	v10 =	vld [tilespmem:$0x30];
	v0 =	vtrunc.f32 v1;
	v1 =	vmul.f32 $8.000000000e+01, v3  }
0x15: {  	s8 =	smax.u32 s5, $0x1;
	v13 =	vld [tilespmem:$0xA0];
	v3 =	vtrunc.f32 v2;
	v8 =	vcvt.f32.s32 v0  }
0x16: {  	p0 =	sne.s32 s8, $0x1;
	v2 =	vld [tilespmem:$0x90];
	v14 =	vtrunc.f32 v5;
	v12 =	vcvt.f32.s32 v7  }
.Ltmp0:
0x17: {  	v5 =	vtrunc.f32 v11;
	v7 =	vmul.f32 $8.000000000e+01, v6;
	vm0 =	vlt.u32 v8, $0x50;
	v8 =	vld [tilespmem:$0x40];
	(pc) =	sbr.rel @!p0 .LBB2_2-.Ltmp0, $4  }
0x18: {  	v11 =	vld [tilespmem:$0xD0];
	v6 =	vmul.f32 $8.000000000e+01, v9;
	v9 =	vtrunc.f32 v1;
	vm1 =	vlt.u32 v12, $0x50  }
0x19: {  	v0 =	vimm.f32 $1.582278490e-04;
	v12 =	vcvt.f32.s32 v9;
	v9 =	vld [tilespmem:$0x50];
	vm0 =	vmand vm0, vm1  }
0x1a: {  	s31 =	sshll.u32 s7, $0x4;
	v10 =	vmul.f32 $8.000000000e+01, v10;
	v4 =	vcvt.f32.s32 v3;
	v3 =	vld [tilespmem:$0xB0];
	v15 =	vsel vm0, $0x39A4D9DE, v0  }
0x1b: {  	s4 =	sadd.s32 s4, s31;
	s5 =	simm.s32 $0x100;
	s7 =	sadd.s32 $0xFFFFFFFF, s8;
	v13 =	vmul.f32 $8.000000000e+01, v13;
	v1 =	vld [tilespmem:$0xC0];
	vm0 =	vlt.u32 v12, $0x50;
	v12 =	vcvt.f32.s32 v14;
	[tilespmem:$0x170] =	vst v15  }
.LBB2_1:
0x1c: {  	p0 =	sne.s32 s7, $0x1;
	s7 =	sadd.s32 $0xFFFFFFFF, s7;
	vm4 =	vlt.u32 v4, $0x50;
	v4 =	vmul.f32 $8.000000000e+01, v8;
	v7 =	vtrunc.f32 v7  }
0x1d: {  	v8 =	vtrunc.f32 v10;
	vm1 =	vlt.u32 v12, $0x50;
	v7 =	vcvt.f32.s32 v7  }
0x1e: {  	v6 =	vtrunc.f32 v6;
	v9 =	vmul.f32 $8.000000000e+01, v9  }
0x1f: {  	v10 =	vtrunc.f32 v13;
	v11 =	vmul.f32 $8.000000000e+01, v11;
	vm2 =	vlt.u32 v7, $0x50  }
0x20: {  	v2 =	vmul.f32 $8.000000000e+01, v2;
	v7 =	vcvt.f32.s32 v8  }
0x21: {  	v3 =	vmul.f32 $8.000000000e+01, v3;
	v8 =	vtrunc.f32 v9  }
0x22: {  	v6 =	vcvt.f32.s32 v6;
	v9 =	vcvt.f32.s32 v10  }
0x23: {  	v3 =	vtrunc.f32 v3;
	v4 =	vtrunc.f32 v4  }
0x24: {  	v5 =	vcvt.f32.s32 v5;
	vm3 =	vlt.u32 v7, $0x50;
	vm5 =	vlt.u32 v9, $0x50  }
0x25: {  	v1 =	vmul.f32 $8.000000000e+01, v1;
	v2 =	vtrunc.f32 v2;
	vm4 =	vmand vm4, vm5  }
0x26: {  	v2 =	vcvt.f32.s32 v2;
	v3 =	vcvt.f32.s32 v3;
	v7 =	vsel vm4, $0x39A4D9DE, v0  }
0x27: {  	v1 =	vtrunc.f32 v1;
	vm4 =	vlt.u32 v6, $0x50;
	v6 =	vcvt.f32.s32 v8;
	[tilespmem:$0x120] =	vst v7  }
0x28: {  	v4 =	vcvt.f32.s32 v4;
	v1 =	vcvt.f32.s32 v1;
	vm5 =	vlt.u32 v5, $0x50  }
0x29: {  	vm6 =	vlt.u32 v2, $0x50;
	vm7 =	vlt.u32 v3, $0x50;
	v2 =	vtrunc.f32 v11  }
0x2a: {  	vm1 =	vmand vm1, vm6;
	v2 =	vcvt.f32.s32 v2;
	vm2 =	vmand vm2, vm5  }
0x2b: {  	v3 =	vsel vm1, $0x39A4D9DE, v0;
	vm1 =	vlt.u32 v1, $0x50;
	v1 =	vsel vm2, $0x39A4D9DE, v0  }
0x2c: {  	vm2 =	vmand vm3, vm7;
	vm3 =	vlt.u32 v4, $0x50;
	vm5 =	vlt.u32 v6, $0x50;
	[tilespmem:$0x110] =	vst v3  }
0x2d: {  	vm1 =	vmand vm3, vm1;
	v3 =	vsel vm2, $0x39A4D9DE, v0;
	vm2 =	vlt.u32 v2, $0x50  }
0x2e: {  	vm0 =	vmand vm4, vm0;
	v2 =	vsel vm1, $0x39A4D9DE, v0;
	vm1 =	vmand vm5, vm2;
	[tilespmem:$0x160] =	vst v1  }
0x2f: {  	v1 =	vsel vm0, $0x39A4D9DE, v0;
	[tilespmem:$0x130] =	vst v3;
	v3 =	vsel vm1, $0x39A4D9DE, v0  }
0x30: {  	[tilespmem:$0x140] =	vst v2  }
0x31: {  	[tilespmem:$0x100] =	vst v1  }
0x32: {  	[tilespmem:$0x150] =	vst v3  }
0x33: {  	[hbm4b:s4+s2] =	stream.linear.scatter [tilespmem:s5], [sflag:$0x1], $0x80, $0x38;
	[tilespmem:$0x180] =	vst v63  }
0x34: {  	_ =	swait.ge [sflag:s3], $0x80  }
0x35: {  	[sflag:s3] =	ssyncset.done $0x0  }
0x36: {  	[sflag:s3] =	ssyncadd.s32 $0xFFFFFF80  }
0x37: {  	[tilespmem:s2], [sflag:$0x1] =	stream.linear.gather [hbm4b:s6+s2], $0x100, $0x38;
	[tilespmem:$0x180] =	vst v63  }
0x38: {  	_ =	swait.ge [sflag:s3], $0x100  }
0x39: {  	[sflag:s3] =	ssyncset.done $0x0  }
0x3a: {  	[sflag:s3] =	ssyncadd.s32 $0xFFFFFF00  }
0x3b: {  	v1 =	vld [tilespmem:$0xF0]  }
0x3c: {  	v2 =	vld [tilespmem:$0x70]  }
0x3d: {  	v3 =	vld [tilespmem:$0x20]  }
0x3e: {  	v5 =	vld [tilespmem:$0x10]  }
0x3f: {  	v4 =	vld [tilespmem:$0x80]  }
0x40: {  	v6 =	vld [tilespmem:$0xE0];
	v1 =	vmul.f32 $8.000000000e+01, v1  }
0x41: {  	v7 =	vld [tilespmem:$0x60];
	v2 =	vmul.f32 $8.000000000e+01, v2  }
0x42: {  	v9 =	vld [tilespmem:$0x0];
	v3 =	vmul.f32 $8.000000000e+01, v3;
	v1 =	vtrunc.f32 v1  }
0x43: {  	v13 =	vld [tilespmem:$0xA0];
	v8 =	vtrunc.f32 v2  }
0x44: {  	v10 =	vmul.f32 $8.000000000e+01, v4;
	v3 =	vtrunc.f32 v3;
	v11 =	vld [tilespmem:$0x30]  }
0x45: {  	v2 =	vld [tilespmem:$0x90];
	v12 =	vmul.f32 $8.000000000e+01, v6;
	v6 =	vcvt.f32.s32 v8  }
0x46: {  	v14 =	vcvt.f32.s32 v1;
	v4 =	vcvt.f32.s32 v3;
	v3 =	vld [tilespmem:$0xB0]  }
.Ltmp1:
0x47: {  	v5 =	vmul.f32 $8.000000000e+01, v5;
	v7 =	vmul.f32 $8.000000000e+01, v7;
	v8 =	vld [tilespmem:$0x40];
	vm0 =	vlt.u32 v6, $0x50;
	(pc) =	sbr.rel @p0 .LBB2_1-.Ltmp1, $4  }
0x48: {  	vm1 =	vlt.u32 v14, $0x50;
	v6 =	vmul.f32 $8.000000000e+01, v9;
	v9 =	vtrunc.f32 v10;
	v1 =	vld [tilespmem:$0xC0]  }
0x49: {  	v14 =	vcvt.f32.s32 v9;
	vm0 =	vmand vm0, vm1;
	v10 =	vmul.f32 $8.000000000e+01, v11;
	v9 =	vld [tilespmem:$0x50]  }
0x4a: {  	v15 =	vtrunc.f32 v5;
	v5 =	vtrunc.f32 v12;
	v16 =	vsel vm0, $0x39A4D9DE, v0;
	v11 =	vld [tilespmem:$0xD0]  }
0x4b: {  	v12 =	vcvt.f32.s32 v15;
	v13 =	vmul.f32 $8.000000000e+01, v13;
	vm0 =	vlt.u32 v14, $0x50;
	[tilespmem:$0x170] =	vst v16  }
.LBB2_2:
0x4c: {  	v8 =	vmul.f32 $8.000000000e+01, v8  }
0x4d: {  	v7 =	vtrunc.f32 v7;
	v10 =	vtrunc.f32 v10  }
0x4e: {  	v6 =	vtrunc.f32 v6;
	v2 =	vmul.f32 $8.000000000e+01, v2  }
0x4f: {  	v5 =	vcvt.f32.s32 v5;
	v7 =	vcvt.f32.s32 v7  }
0x50: {  	v13 =	vtrunc.f32 v13;
	v51 =	vcvt.f32.s32 v10  }
0x51: {  	vm1 =	vlt.u32 v4, $0x50;
	v6 =	vcvt.f32.s32 v6;
	v9 =	vmul.f32 $8.000000000e+01, v9  }
0x52: {  	vm2 =	vlt.u32 v12, $0x50;
	v52 =	vcvt.f32.s32 v13;
	v53 =	vtrunc.f32 v8  }
0x53: {  	v2 =	vtrunc.f32 v2;
	vm9 =	vlt.u32 v5, $0x50;
	v11 =	vmul.f32 $8.000000000e+01, v11  }
0x54: {  	v3 =	vmul.f32 $8.000000000e+01, v3;
	vm3 =	vlt.u32 v7, $0x50;
	vm5 =	vlt.u32 v51, $0x50  }
0x55: {  	v2 =	vcvt.f32.s32 v2;
	vm15 =	vlt.u32 v6, $0x50;
	v56 =	vcvt.f32.s32 v53  }
0x56: {  	v9 =	vtrunc.f32 v9;
	vm4 =	vlt.u32 v52, $0x50;
	v1 =	vmul.f32 $8.000000000e+01, v1  }
0x57: {  	vm3 =	vmand vm3, vm9;
	vm0 =	vmand vm15, vm0;
	v3 =	vtrunc.f32 v3  }
0x58: {  	vm1 =	vmand vm1, vm4;
	v55 =	vcvt.f32.s32 v9;
	vm6 =	vlt.u32 v2, $0x50  }
0x59: {  	v57 =	vtrunc.f32 v11;
	v59 =	vsel vm3, $0x39A4D9DE, v0;
	vm12 =	vlt.u32 v56, $0x50  }
0x5a: {  	v62 =	vsel vm0, $0x39A4D9DE, v0;
	v3 =	vcvt.f32.s32 v3;
	v54 =	vsel vm1, $0x39A4D9DE, v0  }
0x5b: {  	v1 =	vtrunc.f32 v1;
	vm2 =	vmand vm2, vm6;
	v2 =	vcvt.f32.s32 v57;
	[tilespmem:$0x160] =	vst v59  }
0x5c: {  	[tilespmem:$0x100] =	vst v62;
	v1 =	vcvt.f32.s32 v1;
	v58 =	vsel vm2, $0x39A4D9DE, v0;
	vm7 =	vlt.u32 v3, $0x50  }
0x5d: {  	[tilespmem:$0x120] =	vst v54;
	vm13 =	vlt.u32 v55, $0x50;
	vm14 =	vlt.u32 v2, $0x50;
	vm11 =	vmand vm5, vm7  }
0x5e: {  	[tilespmem:$0x110] =	vst v58;
	vm10 =	vlt.u32 v1, $0x50;
	vm15 =	vmand vm13, vm14;
	v60 =	vsel vm11, $0x39A4D9DE, v0  }
0x5f: {  	vm2 =	vmand vm12, vm10;
	v63 =	vsel vm15, $0x39A4D9DE, v0;
	[tilespmem:$0x130] =	vst v60  }
0x60: {  	v61 =	vsel vm2, $0x39A4D9DE, v0;
	[tilespmem:$0x150] =	vst v63  }
0x61: {  	[tilespmem:$0x140] =	vst v61  }
0x62: {  	[hbm4b:s4+s2] =	stream.linear.scatter [tilespmem:s5], [sflag:$0x1], $0x80, $0x38;
	[tilespmem:$0x180] =	vst v63  }
0x63: {  	_ =	swait.ge [sflag:s3], $0x80  }
0x64: {  	[sflag:s3] =	ssyncset.done $0x0  }
0x65: {  	[sflag:s3] =	ssyncadd.s32 $0xFFFFFF80  }
0x66: {  	_ =	sfence.sel $0x180000  }
0x67: {  	[bflag:$0x0] =	sbarrier.arrive $0xFFFF  }
0x68: {  	p0 =	sne.s32 s0, $0x0;
	_ =	strace $0x90000047  }
0x69: {  	s0 =	sadd.s32 @!p0 $0x100000, s1;
	[bflag:$0x2] =	sbarrier.arrive $0xFFFF  }
0x6a: {  	[sflag:s0] =	ssyncadd.tile.s32 @!p0 $0x1;
	_ =	shalt  }
.Lfunc_end2:
_tile_overlayer_lowered:
.L_overlay_start_2:
0x6b: {  	(tag) =	ssettag $0x2  }
0x6c: {  	s0 =	rddreg [dreg:$0x0];
	s2 =	stileid.u32  }
0x6d: {  	s1 =	rddreg [dreg:$0x1];
	p0 =	sne.s32 s2, $0x0  }
0x6e: {  	s3 =	rddreg [dreg:$0x2];
	[bflag:$0x3] =	sbarrier.arrive $0xFFFF;
	s2 =	simm.s32 @!p0 $0x1C01  }
0x6f: {  	[timem:s3], [sflag:s2] =	dma.local @!p0 [hbm:s0], s1  }
0x70: {  	s0 =	simm.s32 @!p0 $0x1  }
0x71: {  	_ =	swait.ge @!p0 [sflag:s0], s1  }
0x72: {  	s1 =	ssub.s32 @!p0 $0x0, s1;
	[sflag:s0] =	ssyncset.done @!p0 $0x0  }
0x73: {  	[sflag:s0] =	ssyncadd.s32 @!p0 s1  }
0x74: {  	[bflag:$0x3] =	sbarrier.arrive $0xFFFF  }
0x75: {  	_ =	shalt  }

</sc_bundles>
